<compile_context>
chip_gen: v7x
topology: tpu7x:2x2x1
jax: 0.10.2.dev20260603
libtpu: 0.0.44.dev20260713+nightly
codegen_flags: <defaults>
</compile_context>

<pallas_src>
import functools

import jax
import jax.numpy as jnp
import numpy as np
from jax import lax
from jax.experimental import pallas as pl
from jax.experimental.pallas import tpu as pltpu
from jax.experimental.pallas import tpu_sc as plsc

_NW = 32
_LANES = 16


def _sc_gather_fma(et0, et1, xflat, mul_tab, bias_tab):
    P = xflat.shape[0]
    E = mul_tab.shape[0]
    CH = P // _NW
    mesh = plsc.VectorSubcoreMesh(core_axis_name="c", subcore_axis_name="s")

    @functools.partial(
        pl.kernel,
        out_type=jax.ShapeDtypeStruct((P,), jnp.float32),
        mesh=mesh,
        compiler_params=pltpu.CompilerParams(needs_layout_passes=False),
        scratch_types=[
            pltpu.VMEM((CH,), jnp.int32),
            pltpu.VMEM((CH,), jnp.int32),
            pltpu.VMEM((CH,), jnp.float32),
            pltpu.VMEM((CH,), jnp.float32),
            pltpu.VMEM((E,), jnp.float32),
            pltpu.VMEM((E,), jnp.float32),
        ],
    )
    def sc_kernel(et0_hbm, et1_hbm, x_hbm, mw_hbm, bw_hbm, out_hbm,
                  i0_v, i1_v, x_v, o_v, mw_v, bw_v):
        wid = lax.axis_index("s") * 2 + lax.axis_index("c")
        base = wid * CH
        pltpu.sync_copy(mw_hbm, mw_v)
        pltpu.sync_copy(bw_hbm, bw_v)
        pltpu.sync_copy(et0_hbm.at[pl.ds(base, CH)], i0_v)
        pltpu.sync_copy(et1_hbm.at[pl.ds(base, CH)], i1_v)
        pltpu.sync_copy(x_hbm.at[pl.ds(base, CH)], x_v)

        def body(i, carry):
            s = pl.ds(i * _LANES, _LANES)
            a = i0_v[s]
            b = i1_v[s]
            m = plsc.load_gather(mw_v, [a]) + plsc.load_gather(mw_v, [b])
            bias = plsc.load_gather(bw_v, [a]) + plsc.load_gather(bw_v, [b])
            o_v[s] = m * x_v[s] + bias
            return carry

        lax.fori_loop(0, CH // _LANES, body, 0)
        pltpu.sync_copy(o_v, out_hbm.at[pl.ds(base, CH)])

    return sc_kernel(et0, et1, xflat, mul_tab, bias_tab)


def _tc_expand(xe2d, means, stds):
    Q, NC = xe2d.shape
    K = means.shape[-1]
    RQ = 8

    def body(xe_ref, mean_ref, std_ref, out_ref):
        std = jnp.abs(std_ref[...]) + 0.01
        inv = (1.0 / std).reshape(1, 1, K)
        coef = (inv * np.float32(1.0 / np.sqrt(2.0 * np.pi))).reshape(1, 1, K)
        mean = mean_ref[...].reshape(1, 1, K)
        xe = xe_ref[...][..., None]
        t = (xe - mean) * inv
        out_ref[...] = jnp.exp(t * t * np.float32(-0.5)) * coef

    return pl.pallas_call(
        body,
        grid=(Q // RQ,),
        in_specs=[
            pl.BlockSpec((RQ, NC), lambda q: (q, 0)),
            pl.BlockSpec((1, K), lambda q: (0, 0)),
            pl.BlockSpec((1, K), lambda q: (0, 0)),
        ],
        out_specs=pl.BlockSpec((RQ, NC, K), lambda q: (q, 0, 0)),
        out_shape=jax.ShapeDtypeStruct((Q, NC, K), jnp.float32),
    )(xe2d, means, stds)


def kernel(x, edge_types, means, stds, mul_w, bias_w):
    B, N = x.shape[0], x.shape[1]
    K = means.shape[-1]
    et = edge_types.astype(jnp.int32)
    et0 = et[..., 0].reshape(-1)
    et1 = et[..., 1].reshape(-1)
    xe = _sc_gather_fma(et0, et1, x.reshape(-1),
                        mul_w.reshape(-1).astype(jnp.float32),
                        bias_w.reshape(-1).astype(jnp.float32))
    out = _tc_expand(xe.reshape(B * N, N),
                     means.astype(jnp.float32), stds.astype(jnp.float32))
    return out.reshape(B, N, N, K).astype(means.dtype)

# --- scband reference (transcript-rebuilt; emitter-appended) ---
"""Pipeline reference for scband-gaussian-layer-1838246003300 (READ-ONLY COPY).

The authoritative reference and input builder live on the scoring server;
editing this copy changes nothing except your own understanding.
"""

import jax, jax.numpy as jnp
import numpy as np

K = 128
EDGE_TYPES = 1536
B, N, T = 4, 256, 2

def setup_inputs(seed: int = 0) -> dict:
    key = jax.random.key(seed)
    kx, ke, km, ks = jax.random.split(key, 4)
    x = jax.random.uniform(kx, (B, N, N), dtype=jnp.float32)
    edge_types = jax.random.randint(ke, (B, N, N, T), 0, EDGE_TYPES, dtype=jnp.int64)
    means = jax.random.uniform(km, (1, K), dtype=jnp.float32, minval=0.0, maxval=3.0)
    stds = jax.random.uniform(ks, (1, K), dtype=jnp.float32, minval=0.0, maxval=3.0)
    # mul initialized to 1, bias to 0; padding_idx=0 zeroes row 0
    mul_w = jnp.ones((EDGE_TYPES, 1), dtype=jnp.float32).at[0].set(0.0)
    bias_w = jnp.zeros((EDGE_TYPES, 1), dtype=jnp.float32)
    return {"x": x, "edge_types": edge_types, "means": means, "stds": stds, "mul_w": mul_w, "bias_w": bias_w}

def _gaussian(x, mean, std):
    a = (2.0 * jnp.pi) ** 0.5
    return jnp.exp(-0.5 * ((x - mean) / std) ** 2) / (a * std)

def reference(x, edge_types, means, stds, mul_w, bias_w):
    # embedding lookups: [B,N,N,T,1] -> sum over T -> [B,N,N,1]
    mul = jnp.take(mul_w, edge_types, axis=0).sum(axis=-2)
    bias = jnp.take(bias_w, edge_types, axis=0).sum(axis=-2)
    xe = mul * x[..., None] + bias            # [B,N,N,1]
    xe = jnp.broadcast_to(xe, (B, N, N, K))   # expand to K kernels
    mean = means.astype(jnp.float32).reshape(-1)
    std = jnp.abs(stds.astype(jnp.float32).reshape(-1)) + 0.01
    out = _gaussian(xe.astype(jnp.float32), mean, std)
    return out.astype(means.dtype)

if __name__ == "__main__":
    import jax
    _d = setup_inputs()
    print(jax.jit(kernel)(*tuple(_d.values())))

</pallas_src>

<mosaic_0001>
#map = affine_map<(d0, d1) -> (0)>
module attributes {stable_mosaic.version = 14 : i64} {
  func.func @sc_kernel(%arg0: i32, %arg1: i32, %arg2: memref<262144xi32, #tpu.memory_space<hbm>>, %arg3: memref<262144xi32, #tpu.memory_space<hbm>>, %arg4: memref<262144xf32, #tpu.memory_space<hbm>>, %arg5: memref<1536xf32, #tpu.memory_space<hbm>>, %arg6: memref<1536xf32, #tpu.memory_space<hbm>>, %arg7: memref<262144xf32, #tpu.memory_space<hbm>>, %arg8: memref<8192xi32, #tpu.memory_space<vmem>>, %arg9: memref<8192xi32, #tpu.memory_space<vmem>>, %arg10: memref<8192xf32, #tpu.memory_space<vmem>>, %arg11: memref<8192xf32, #tpu.memory_space<vmem>>, %arg12: memref<1536xf32, #tpu.memory_space<vmem>>, %arg13: memref<1536xf32, #tpu.memory_space<vmem>>) attributes {dimension_semantics = [#tpu.dimension_semantics<core_parallel>, #tpu.dimension_semantics<subcore_parallel>], iteration_bounds = array<i64: 2, 16>, scalar_prefetch = 0 : i64, scratch_operands = 6 : i64, tpu.core_type = #tpu.core_type<sc_vector_subcore>, window_params = [{transform_indices = #map}, {transform_indices = #map}, {transform_indices = #map}, {transform_indices = #map}, {transform_indices = #map}, {transform_indices = #map}]} {
    %mul3A = arith.constant 2 : i32
    %mul3A_0 = arith.muli %arg1, %mul3A : i32
    %add3A = arith.addi %mul3A_0, %arg0 : i32
    %mul3A_1 = arith.constant 8192 : i32
    %mul3A_2 = arith.muli %add3A, %mul3A_1 : i32
    "tpu.region"() ({
      %run_scoped3A = tpu.sem_alloc : memref<!tpu.dma_semaphore, #tpu.memory_space<semaphore_mem>>
      tpu.enqueue_dma source(%arg5 : memref<1536xf32, #tpu.memory_space<hbm>>) target(%arg12 : memref<1536xf32, #tpu.memory_space<vmem>>) target_semaphore(%run_scoped3A : memref<!tpu.dma_semaphore, #tpu.memory_space<semaphore_mem>>)
      tpu.wait_dma2 semaphore(%run_scoped3A : memref<!tpu.dma_semaphore, #tpu.memory_space<semaphore_mem>>) src(%arg5 : memref<1536xf32, #tpu.memory_space<hbm>>) dst(%arg12 : memref<1536xf32, #tpu.memory_space<vmem>>)
      tpu.yield
    }) : () -> ()
    "tpu.region"() ({
      %run_scoped3A = tpu.sem_alloc : memref<!tpu.dma_semaphore, #tpu.memory_space<semaphore_mem>>
      tpu.enqueue_dma source(%arg6 : memref<1536xf32, #tpu.memory_space<hbm>>) target(%arg13 : memref<1536xf32, #tpu.memory_space<vmem>>) target_semaphore(%run_scoped3A : memref<!tpu.dma_semaphore, #tpu.memory_space<semaphore_mem>>)
      tpu.wait_dma2 semaphore(%run_scoped3A : memref<!tpu.dma_semaphore, #tpu.memory_space<semaphore_mem>>) src(%arg6 : memref<1536xf32, #tpu.memory_space<hbm>>) dst(%arg13 : memref<1536xf32, #tpu.memory_space<vmem>>)
      tpu.yield
    }) : () -> ()
    "tpu.region"() ({
      %run_scoped3A = tpu.sem_alloc : memref<!tpu.dma_semaphore, #tpu.memory_space<semaphore_mem>>
      %dma_start3A = tpu.memref_slice %arg2[%mul3A_2] : memref<262144xi32, #tpu.memory_space<hbm>> -> memref<8192xi32, #tpu.memory_space<hbm>>
      %dma_start3A_8 = tpu.memref_slice %arg2[%mul3A_2] : memref<262144xi32, #tpu.memory_space<hbm>> -> memref<8192xi32, #tpu.memory_space<hbm>>
      tpu.enqueue_dma source(%dma_start3A_8 : memref<8192xi32, #tpu.memory_space<hbm>>) target(%arg8 : memref<8192xi32, #tpu.memory_space<vmem>>) target_semaphore(%run_scoped3A : memref<!tpu.dma_semaphore, #tpu.memory_space<semaphore_mem>>)
      %dma_wait3A = tpu.memref_slice %arg2[%mul3A_2] : memref<262144xi32, #tpu.memory_space<hbm>> -> memref<8192xi32, #tpu.memory_space<hbm>>
      %dma_wait3A_9 = tpu.memref_slice %arg2[%mul3A_2] : memref<262144xi32, #tpu.memory_space<hbm>> -> memref<8192xi32, #tpu.memory_space<hbm>>
      tpu.wait_dma2 semaphore(%run_scoped3A : memref<!tpu.dma_semaphore, #tpu.memory_space<semaphore_mem>>) src(%dma_wait3A_9 : memref<8192xi32, #tpu.memory_space<hbm>>) dst(%arg8 : memref<8192xi32, #tpu.memory_space<vmem>>)
      tpu.yield
    }) : () -> ()
    "tpu.region"() ({
      %run_scoped3A = tpu.sem_alloc : memref<!tpu.dma_semaphore, #tpu.memory_space<semaphore_mem>>
      %dma_start3A = tpu.memref_slice %arg3[%mul3A_2] : memref<262144xi32, #tpu.memory_space<hbm>> -> memref<8192xi32, #tpu.memory_space<hbm>>
      %dma_start3A_8 = tpu.memref_slice %arg3[%mul3A_2] : memref<262144xi32, #tpu.memory_space<hbm>> -> memref<8192xi32, #tpu.memory_space<hbm>>
      tpu.enqueue_dma source(%dma_start3A_8 : memref<8192xi32, #tpu.memory_space<hbm>>) target(%arg9 : memref<8192xi32, #tpu.memory_space<vmem>>) target_semaphore(%run_scoped3A : memref<!tpu.dma_semaphore, #tpu.memory_space<semaphore_mem>>)
      %dma_wait3A = tpu.memref_slice %arg3[%mul3A_2] : memref<262144xi32, #tpu.memory_space<hbm>> -> memref<8192xi32, #tpu.memory_space<hbm>>
      %dma_wait3A_9 = tpu.memref_slice %arg3[%mul3A_2] : memref<262144xi32, #tpu.memory_space<hbm>> -> memref<8192xi32, #tpu.memory_space<hbm>>
      tpu.wait_dma2 semaphore(%run_scoped3A : memref<!tpu.dma_semaphore, #tpu.memory_space<semaphore_mem>>) src(%dma_wait3A_9 : memref<8192xi32, #tpu.memory_space<hbm>>) dst(%arg9 : memref<8192xi32, #tpu.memory_space<vmem>>)
      tpu.yield
    }) : () -> ()
    "tpu.region"() ({
      %run_scoped3A = tpu.sem_alloc : memref<!tpu.dma_semaphore, #tpu.memory_space<semaphore_mem>>
      %dma_start3A = tpu.memref_slice %arg4[%mul3A_2] : memref<262144xf32, #tpu.memory_space<hbm>> -> memref<8192xf32, #tpu.memory_space<hbm>>
      %dma_start3A_8 = tpu.memref_slice %arg4[%mul3A_2] : memref<262144xf32, #tpu.memory_space<hbm>> -> memref<8192xf32, #tpu.memory_space<hbm>>
      tpu.enqueue_dma source(%dma_start3A_8 : memref<8192xf32, #tpu.memory_space<hbm>>) target(%arg10 : memref<8192xf32, #tpu.memory_space<vmem>>) target_semaphore(%run_scoped3A : memref<!tpu.dma_semaphore, #tpu.memory_space<semaphore_mem>>)
      %dma_wait3A = tpu.memref_slice %arg4[%mul3A_2] : memref<262144xf32, #tpu.memory_space<hbm>> -> memref<8192xf32, #tpu.memory_space<hbm>>
      %dma_wait3A_9 = tpu.memref_slice %arg4[%mul3A_2] : memref<262144xf32, #tpu.memory_space<hbm>> -> memref<8192xf32, #tpu.memory_space<hbm>>
      tpu.wait_dma2 semaphore(%run_scoped3A : memref<!tpu.dma_semaphore, #tpu.memory_space<semaphore_mem>>) src(%dma_wait3A_9 : memref<8192xf32, #tpu.memory_space<hbm>>) dst(%arg10 : memref<8192xf32, #tpu.memory_space<vmem>>)
      tpu.yield
    }) : () -> ()
    %scan3A = arith.constant 0 : i32
    %scan3A_3 = arith.constant 0 : i32
    %scan3A_4 = arith.constant 512 : i32
    %scan3A_5 = arith.addi %scan3A_3, %scan3A_4 : i32
    %scan3A_6 = arith.constant 1 : i32
    scf.for %scan3A_8 = %scan3A_3 to %scan3A_5 step %scan3A_6  : i32 {
      %mul3A_9 = arith.constant 16 : i32
      %mul3A_10 = arith.muli %scan3A_8, %mul3A_9 : i32
      %get3A = arith.index_cast %mul3A_10 : i32 to index
      %get3A_11 = tpu.vector_load %arg8[%get3A] {strides = array<i32>} : memref<8192xi32, #tpu.memory_space<vmem>>, vector<16xi32>,
      %get3A_12 = arith.index_cast %mul3A_10 : i32 to index
      %get3A_13 = tpu.vector_load %arg9[%get3A_12] {strides = array<i32>} : memref<8192xi32, #tpu.memory_space<vmem>>, vector<16xi32>,
      %gather3A = tpu.vector_load_idx %arg12[%get3A_11] : memref<1536xf32, #tpu.memory_space<vmem>>[vector<16xi32>], vector<16xf32>,
      %gather3A_14 = tpu.vector_load_idx %arg12[%get3A_13] : memref<1536xf32, #tpu.memory_space<vmem>>[vector<16xi32>], vector<16xf32>,
      %add3A_15 = arith.addf %gather3A, %gather3A_14 : vector<16xf32>
      %gather3A_16 = tpu.vector_load_idx %arg13[%get3A_11] : memref<1536xf32, #tpu.memory_space<vmem>>[vector<16xi32>], vector<16xf32>,
      %gather3A_17 = tpu.vector_load_idx %arg13[%get3A_13] : memref<1536xf32, #tpu.memory_space<vmem>>[vector<16xi32>], vector<16xf32>,
      %add3A_18 = arith.addf %gather3A_16, %gather3A_17 : vector<16xf32>
      %get3A_19 = arith.index_cast %mul3A_10 : i32 to index
      %get3A_20 = tpu.vector_load %arg10[%get3A_19] {strides = array<i32>} : memref<8192xf32, #tpu.memory_space<vmem>>, vector<16xf32>,
      %mul3A_21 = arith.mulf %add3A_15, %get3A_20 : vector<16xf32>
      %add3A_22 = arith.addf %mul3A_21, %add3A_18 : vector<16xf32>
      %swap3A = arith.index_cast %mul3A_10 : i32 to index
      %swap3A_23 = tpu.vector_load %arg11[%swap3A] {strides = array<i32>} : memref<8192xf32, #tpu.memory_space<vmem>>, vector<16xf32>,
      tpu.vector_store %arg11[%swap3A], %add3A_22 {strides = array<i32>} : memref<8192xf32, #tpu.memory_space<vmem>>, vector<16xf32>,
    }
    %scan3A_7 = arith.constant 512 : i32
    "tpu.region"() ({
      %run_scoped3A = tpu.sem_alloc : memref<!tpu.dma_semaphore, #tpu.memory_space<semaphore_mem>>
      %dma_start3A = tpu.memref_slice %arg7[%mul3A_2] : memref<262144xf32, #tpu.memory_space<hbm>> -> memref<8192xf32, #tpu.memory_space<hbm>>
      %dma_start3A_8 = tpu.memref_slice %arg7[%mul3A_2] : memref<262144xf32, #tpu.memory_space<hbm>> -> memref<8192xf32, #tpu.memory_space<hbm>>
      tpu.enqueue_dma source(%arg11 : memref<8192xf32, #tpu.memory_space<vmem>>) target(%dma_start3A_8 : memref<8192xf32, #tpu.memory_space<hbm>>) target_semaphore(%run_scoped3A : memref<!tpu.dma_semaphore, #tpu.memory_space<semaphore_mem>>)
      %dma_wait3A = tpu.memref_slice %arg7[%mul3A_2] : memref<262144xf32, #tpu.memory_space<hbm>> -> memref<8192xf32, #tpu.memory_space<hbm>>
      %dma_wait3A_9 = tpu.memref_slice %arg7[%mul3A_2] : memref<262144xf32, #tpu.memory_space<hbm>> -> memref<8192xf32, #tpu.memory_space<hbm>>
      tpu.wait_dma2 semaphore(%run_scoped3A : memref<!tpu.dma_semaphore, #tpu.memory_space<semaphore_mem>>) src(%arg11 : memref<8192xf32, #tpu.memory_space<vmem>>) dst(%dma_wait3A_9 : memref<8192xf32, #tpu.memory_space<hbm>>)
      tpu.yield
    }) : () -> ()
    return
  }
}

module attributes {stable_mosaic.version = 14 : i64} {
  func.func @body(%arg0: i32, %arg1: memref<8x256xf32, #tpu.memory_space<vmem>>, %arg2: memref<1x128xf32, #tpu.memory_space<vmem>>, %arg3: memref<1x128xf32, #tpu.memory_space<vmem>>, %arg4: memref<8x256x128xf32, #tpu.memory_space<vmem>>) attributes {dimension_semantics = [#tpu.dimension_semantics<arbitrary>], iteration_bounds = array<i64: 128>, scalar_prefetch = 0 : i64, scratch_operands = 0 : i64, tpu.core_type = #tpu.core_type<tc>, window_params = [{transform_indices = @transform_0, window_bounds = array<i64: 8, 256>}, {pipeline_mode = #tpu.pipeline_mode<synchronous>, transform_indices = @transform_1, window_bounds = array<i64: 1, 128>}, {pipeline_mode = #tpu.pipeline_mode<synchronous>, transform_indices = @transform_2, window_bounds = array<i64: 1, 128>}, {transform_indices = @transform_3, window_bounds = array<i64: 8, 256, 128>}]} {
    %get3A = arith.constant 0 : index
    %get3A_0 = arith.constant 0 : index
    %get3A_1 = vector.load %arg3[%get3A, %get3A_0] : memref<1x128xf32, #tpu.memory_space<vmem>>, vector<1x128xf32>
    %abs3A = math.absf %get3A_1 : vector<1x128xf32>
    %add3A = arith.constant 0.00999999977 : f32
    %add3A_2 = vector.broadcast %add3A : f32 to vector<1x128xf32>
    %add3A_3 = arith.addf %abs3A, %add3A_2 : vector<1x128xf32>
    %div3A = arith.constant 1.000000e+00 : f32
    %div3A_4 = vector.broadcast %div3A : f32 to vector<1x128xf32>
    %div3A_5 = arith.divf %div3A_4, %add3A_3 : vector<1x128xf32>
    %reshape3A = vector.shape_cast %div3A_5 : vector<1x128xf32> to vector<1x1x128xf32>
    %mul3A = arith.constant 0.398942292 : f32
    %mul3A_6 = vector.broadcast %mul3A : f32 to vector<1x1x128xf32>
    %mul3A_7 = arith.mulf %reshape3A, %mul3A_6 : vector<1x1x128xf32>
    %get3A_8 = arith.constant 0 : index
    %get3A_9 = arith.constant 0 : index
    %get3A_10 = vector.load %arg2[%get3A_8, %get3A_9] : memref<1x128xf32, #tpu.memory_space<vmem>>, vector<1x128xf32>
    %reshape3A_11 = vector.shape_cast %get3A_10 : vector<1x128xf32> to vector<1x1x128xf32>
    %get3A_12 = arith.constant 0 : index
    %get3A_13 = arith.constant 0 : index
    %get3A_14 = vector.load %arg1[%get3A_12, %get3A_13] : memref<8x256xf32, #tpu.memory_space<vmem>>, vector<8x256xf32>
    %broadcast_in_dim3A = vector.shape_cast %get3A_14 : vector<8x256xf32> to vector<8x256x1xf32>
    %sub3A = vector.broadcast %broadcast_in_dim3A : vector<8x256x1xf32> to vector<8x256x128xf32>
    %sub3A_15 = vector.broadcast %reshape3A_11 : vector<1x1x128xf32> to vector<8x256x128xf32>
    %sub3A_16 = arith.subf %sub3A, %sub3A_15 : vector<8x256x128xf32>
    %mul3A_17 = vector.broadcast %reshape3A : vector<1x1x128xf32> to vector<8x256x128xf32>
    %mul3A_18 = arith.mulf %sub3A_16, %mul3A_17 : vector<8x256x128xf32>
    %mul3A_19 = arith.mulf %mul3A_18, %mul3A_18 : vector<8x256x128xf32>
    %mul3A_20 = arith.constant -5.000000e-01 : f32
    %mul3A_21 = vector.broadcast %mul3A_20 : f32 to vector<8x256x128xf32>
    %mul3A_22 = arith.mulf %mul3A_19, %mul3A_21 : vector<8x256x128xf32>
    %exp3A = math.exp %mul3A_22 : vector<8x256x128xf32>
    %mul3A_23 = vector.broadcast %mul3A_7 : vector<1x1x128xf32> to vector<8x256x128xf32>
    %mul3A_24 = arith.mulf %exp3A, %mul3A_23 : vector<8x256x128xf32>
    %swap3A = arith.constant 0 : index
    %swap3A_25 = arith.constant 0 : index
    %swap3A_26 = arith.constant 0 : index
    %swap3A_27 = vector.load %arg4[%swap3A, %swap3A_25, %swap3A_26] : memref<8x256x128xf32, #tpu.memory_space<vmem>>, vector<8x256x128xf32>
    tpu.vector_store %arg4[%swap3A, %swap3A_25, %swap3A_26], %mul3A_24 {strides = array<i32>} : memref<8x256x128xf32, #tpu.memory_space<vmem>>, vector<8x256x128xf32>,
    return
  }
  func.func @transform_0(%arg0: i32) -> (i32, i32) {
    %c0_i32 = arith.constant 0 : i32
    %c0_i32_0 = arith.constant 0 : i32
    return %arg0, %c0_i32 : i32, i32
  }
  func.func @transform_1(%arg0: i32) -> (i32, i32) {
    %c0_i32 = arith.constant 0 : i32
    %c0_i32_0 = arith.constant 0 : i32
    %c0_i32_1 = arith.constant 0 : i32
    return %c0_i32, %c0_i32_0 : i32, i32
  }
  func.func @transform_2(%arg0: i32) -> (i32, i32) {
    %c0_i32 = arith.constant 0 : i32
    %c0_i32_0 = arith.constant 0 : i32
    %c0_i32_1 = arith.constant 0 : i32
    return %c0_i32, %c0_i32_0 : i32, i32
  }
  func.func @transform_3(%arg0: i32) -> (i32, i32, i32) {
    %c0_i32 = arith.constant 0 : i32
    %c0_i32_0 = arith.constant 0 : i32
    %c0_i32_1 = arith.constant 0 : i32
    return %arg0, %c0_i32, %c0_i32_0 : i32, i32, i32
  }
}

</mosaic_0001>

<sc_bundles>
// kernel: kernel.4.cloned.1.call-start
scs
__scs_entry_jumppad:
0x0: {  	(pc) =	sbr.rel $0x88, $3  }
0x1: {  	(tag) =	ssettag $0x0;
	lr =	simm.s32 $0x1  }
0x2: {  	[smem:$0x3F9B] =	sst lr;
	_ =	strace $0xD0000000  }
0x3: {  	_ = 	snop  }
0x4: {  	_ = 	snop  }
0x5: {  	_ = 	snop  }
0x6: {  	_ = 	snop  }
0x7: {  	_ = 	snop  }
__scs_overlays_trampoline_lowered:
0x8: {  	[smem:$0x3FAA] =	sst s0  }
0x9: {  	[smem:$0x3FAB] =	sst s1  }
0xa: {  	[smem:$0x3FAC] =	sst s2  }
0xb: {  	[smem:$0x3FAD] =	sst s3  }
0xc: {  	[smem:$0x3FAE] =	sst s4  }
0xd: {  	[smem:$0x3FAF] =	sst s5  }
0xe: {  	[smem:$0x3FB0] =	sst s6  }
0xf: {  	[smem:$0x3FB1] =	sst s7  }
0x10: {  	[smem:$0x3FB2] =	sst s8  }
0x11: {  	[smem:$0x3FB3] =	sst s9;
	s0 =	simm.s32 @!p0 $0x0  }
0x12: {  	s1 =	sld [smem:$0x3F99];
	s0 =	simm.s32 @p0 $0x1  }
0x13: {  	[smem:$0x3FB4] =	sst s0;
	s0 =	simm.s32 @!p1 $0x0  }
0x14: {  	s2 =	sld [smem:$0x3F98];
	s0 =	simm.s32 @p1 $0x1  }
0x15: {  	[smem:$0x3FB5] =	sst s0;
	s0 =	simm.s32 @!p2 $0x0  }
0x16: {  	s3 =	sld [smem:$0x3FDB];
	s0 =	simm.s32 @p2 $0x1  }
0x17: {  	s4 =	simm.s32 $0x1BF5;
	[smem:$0x3FB7] =	sst s0  }
0x18: {  	s0 =	sld [smem:$0x3F9A];
	_ =	swait.ge [sflag:s4], $0x0  }
0x19: {  	s7 =	sld [smem:$0x3F9B]  }
0x1a: {  	s8 =	sadd.s32 $0xFFFFE003, lr  }
0x1b: {  	s9 =	sadd.s32 $0xFFFFFEF7, lr;
	s5 =	simm.s32 $0xFFFFFFFF;
	p2 =	slt.u32 s8, $0xFFFFF086  }
0x1c: {  	p1 =	slt.u32 s9, $0xF7A;
	s5 =	simm.s32 @!p2 $0x0  }
0x1d: {  	s5 =	simm.s32 @p1 $0x1;
	p0 =	seq.s32 s7, s2  }
0x1e: {  	s7 =	smul.u32 @!p0 $0xF7A, s2;
	p2 =	seq.s32 @!p0 s5, $0x0  }
0x1f: {  	s9 =	smul.u32 $0xF7A, s1;
	s8 =	simm.s32 @!p0 $0x1BF5;
	p2 =	por !p2, p0  }
0x20: {  	[sflag:s8] =	ssyncset.s32 @!p0 $0xFFFFF086;
	s6 =	sadd.s32 @!p0 s3, s7;
	s7 =	simm.s32 @!p0 $0x108  }
0x21: {  	s3 =	sadd.s32 s3, s9;
	s6 =	sadd.s32 @!p0 $0x88, s6;
	s7 =	simm.s32 @p2 $0x1082  }
0x22: {  	[simem:s7], [sflag:s8] =	dma.local @!p0 [hbm:s6], $0xF7A  }
0x23: {  	s9 =	sor.u32 $0xD0000000, s2;
	s6 =	simm.s32 $0x108;
	_ =	swait.ge @!p0 [sflag:s8], $0x0  }
0x24: {  	s3 =	sadd.s32 $0x88, s3;
	s6 =	simm.s32 @!p1 $0x1082;
	[sflag:s4] =	ssyncset.s32 $0xFFFFF086  }
0x25: {  	[simem:s6], [sflag:s4] =	dma.local [hbm:s3], $0xF7A  }
0x26: {  	[smem:$0x3F9B] =	sst s1;
	(tag) =	ssettag s2;
	_ =	strace s9  }
0x27: {  	s1 =	sld [smem:$0x3FAB]  }
0x28: {  	s2 =	sld [smem:$0x3FAC]  }
0x29: {  	s4 =	sld [smem:$0x3FAE]  }
0x2a: {  	p0 =	seq.s32 s5, $0x0;
	s5 =	sld [smem:$0x3FAF]  }
0x2b: {  	s6 =	sld [smem:$0x3FB0]  }
0x2c: {  	s7 =	sld [smem:$0x3FB1]  }
0x2d: {  	s3 =	simm.s32 $0x108;
	s8 =	sld [smem:$0x3FB2]  }
0x2e: {  	s3 =	simm.s32 @!p0 $0x1082;
	s9 =	sld [smem:$0x3FB3]  }
0x2f: {  	lr =	sadd.s32 s0, s3;
	s0 =	sld [smem:$0x3FAA]  }
0x30: {  	s3 =	sld [smem:$0x3FAD]  }
0x31: {  	[smem:$0x3FB6] =	sst s10  }
0x32: {  	s10 =	sld [smem:$0x3FB4];
	_ =	sdelay $0x3  }
0x33: {  	p0 =	seq.s32 s10, $0x1;
	s10 =	sld [smem:$0x3FB6];
	_ =	sdelay $0x3  }
0x34: {  	[smem:$0x3FB6] =	sst s10  }
0x35: {  	s10 =	sld [smem:$0x3FB5];
	_ =	sdelay $0x3  }
0x36: {  	p1 =	seq.s32 s10, $0x1;
	s10 =	sld [smem:$0x3FB6];
	_ =	sdelay $0x3  }
0x37: {  	[smem:$0x3FB6] =	sst s10  }
0x38: {  	s10 =	sld [smem:$0x3FB7]  }
0x39: {  	_ = 	snop;
	(pc) =	sbr.ind lr, $3  }
0x3a: {  	_ = 	snop  }
0x3b: {  	_ = 	snop  }
0x3c: {  	p2 =	seq.s32 s10, $0x1;
	s10 =	sld [smem:$0x3FB6]  }
0x3d: {  	_ =	shalt  }
0x3e: {  	_ =	shalt  }
0x3f: {  	_ =	shalt  }
0x40: {  	_ =	shalt  }
0x41: {  	_ =	shalt  }
0x42: {  	_ =	shalt  }
0x43: {  	_ =	shalt  }
0x44: {  	_ =	shalt  }
0x45: {  	_ =	shalt  }
0x46: {  	_ =	shalt  }
0x47: {  	_ =	shalt  }
0x48: {  	_ =	shalt  }
0x49: {  	_ =	shalt  }
0x4a: {  	_ =	shalt  }
0x4b: {  	_ =	shalt  }
0x4c: {  	_ =	shalt  }
0x4d: {  	_ =	shalt  }
0x4e: {  	_ =	shalt  }
0x4f: {  	_ =	shalt  }
0x50: {  	_ =	shalt  }
0x51: {  	_ =	shalt  }
0x52: {  	_ =	shalt  }
0x53: {  	_ =	shalt  }
0x54: {  	_ =	shalt  }
0x55: {  	_ =	shalt  }
0x56: {  	_ =	shalt  }
0x57: {  	_ =	shalt  }
0x58: {  	_ =	shalt  }
0x59: {  	_ =	shalt  }
0x5a: {  	_ =	shalt  }
0x5b: {  	_ =	shalt  }
0x5c: {  	_ =	shalt  }
0x5d: {  	_ =	shalt  }
0x5e: {  	_ =	shalt  }
0x5f: {  	_ =	shalt  }
0x60: {  	_ =	shalt  }
0x61: {  	_ =	shalt  }
0x62: {  	_ =	shalt  }
0x63: {  	_ =	shalt  }
0x64: {  	_ =	shalt  }
0x65: {  	_ =	shalt  }
0x66: {  	_ =	shalt  }
0x67: {  	_ =	shalt  }
0x68: {  	_ =	shalt  }
0x69: {  	_ =	shalt  }
0x6a: {  	_ =	shalt  }
0x6b: {  	_ =	shalt  }
0x6c: {  	_ =	shalt  }
0x6d: {  	_ =	shalt  }
0x6e: {  	_ =	shalt  }
0x6f: {  	_ =	shalt  }
0x70: {  	_ =	shalt  }
0x71: {  	_ =	shalt  }
0x72: {  	_ =	shalt  }
0x73: {  	_ =	shalt  }
0x74: {  	_ =	shalt  }
0x75: {  	_ =	shalt  }
0x76: {  	_ =	shalt  }
0x77: {  	_ =	shalt  }
0x78: {  	_ =	shalt  }
0x79: {  	_ =	shalt  }
0x7a: {  	_ =	shalt  }
0x7b: {  	_ =	shalt  }
0x7c: {  	_ =	shalt  }
0x7d: {  	_ =	shalt  }
0x7e: {  	_ =	shalt  }
0x7f: {  	_ =	shalt  }
0x80: {  	_ =	shalt  }
0x81: {  	_ =	shalt  }
0x82: {  	_ =	shalt  }
0x83: {  	_ =	shalt  }
0x84: {  	_ =	shalt  }
0x85: {  	_ =	shalt  }
0x86: {  	_ =	shalt  }
0x87: {  	_ =	shalt  }
.Lfunc_end0:
.L_simem_size_0:
called_computation_lowered:
.L_overlay_start_0:
0x88: {  	s2 =	sld [smem:$0x3FD9]  }
0x89: {  	s3 =	sld [smem:$0x3FFE];
	_ =	sdelay $0x1  }
0x8a: {  	s1 =	srdreg.scid  }
0x8b: {  	s0 =	sand.u32 $0x1, s1  }
0x8c: {  	s17 =	sshll.u32 s0, $0xA;
	s2 =	sadd.s32 s3, s2  }
0x8d: {  	s2 =	sadd.s32 s2, s17  }
0x8e: {  	[smem:$0x3FC2] =	sst s2  }
0x8f: {  	_ = 	snop  }
0x90: {  	s2 =	sld [smem:$0x3FD0];
	(tm) =	ssettm $0x1  }
0x91: {  	s18 =	sld [smem:$0x3FFB];
	_ =	sdelay $0x3  }
0x92: {  	_ =	strace s18  }
0x93: {  	s3 =	sld [smem:$0x3FFC];
	_ =	sdelay $0x3  }
0x94: {  	_ =	strace s3  }
0x95: {  	s3 =	sld [smem:$0x3FFD];
	_ =	sdelay $0x3  }
0x96: {  	_ =	strace s3  }
0x97: {  	_ =	strace $0x8FFFFFFF  }
0x98: {  	s19 =	sld [smem:$0x3FDB];
	_ =	sdelay $0x1  }
0x99: {  	s4 =	simm.s32 $_scs_section_size  }
0x9a: {  	s5 =	simm.s32 $_size__tile_overlayer_lowered;
	s6 =	simm.s32 $_tile_overlayer_lowered  }
0x9b: {  	s22 =	simm.s32 $0x1BFF;
	s21 =	sshll.u32 s6, $0x1;
	s3 =	sadd.s32 s4, s19  }
0x9c: {  	s7 =	simm.s32 $0x0;
	s20 =	sshll.u32 s5, $0x1;
	s5 =	sadd.s32 s21, s3  }
0x9d: {  	[timem:s7], [sflag:s22] =	dma.local [hbm:s5], s20  }
0x9e: {  	_ =	swait.ge [sflag:s22], s20  }
0x9f: {  	s4 =	ssub.s32 $0x0, s20;
	[sflag:s22] =	ssyncset.done $0x0  }
0xa0: {  	[sflag:s22] =	ssyncadd.s32 s4;
	_ =	sdelay $0x1  }
0xa1: {  	s23 =	simm.s32 $0x1B8B  }
0xa2: {  	_ =	swait.ge [sflag:s23], $0x1  }
0xa3: {  	[sflag:s23] =	ssyncset.done $0x0  }
0xa4: {  	s25 =	simm.s32 $0x1B8E;
	s24 =	sld [smem:$0x3FFE];
	[sflag:s23] =	ssyncadd.s32 $0xFFFFFFFF  }
0xa5: {  	s26 =	simm.s32 $execute0_lowered;
	[smem:$0x3FD2] =	sst s25  }
0xa6: {  	s5 =	sshll.u32 s26, $0x1;
	_ =	strace $0x80000046;
	[dreg:$0x1] =	wrdreg $0xFFFFFFFF  }
0xa7: {  	s28 =	simm.s32 $_size_execute0_lowered;
	s3 =	sadd.s32 s3, s5;
	[dreg:$0x0] =	wrdreg $0x0  }
0xa8: {  	s5 =	sshll.u32 s28, $0x1;
	[dreg:$0x2] =	wrdreg s3  }
0xa9: {  	[dreg:$0x3] =	wrdreg s5  }
0xaa: {  	[dreg:$0x4] =	wrdreg $0xC0  }
0xab: {  	_ =	task [dreg:s7], $0x5FFFF  }
0xac: {  	[dreg:$0x1] =	wrdreg $0xFFFFFFFF  }
0xad: {  	[dreg:$0x0] =	wrdreg $0x60  }
0xae: {  	[dreg:$0x2] =	wrdreg s24  }
0xaf: {  	[dreg:$0x3] =	wrdreg s2  }
0xb0: {  	[dreg:$0x4] =	wrdreg $0x9  }
0xb1: {  	_ =	task.clear_ibuf [dreg:s7], $0x5FFFF;
	_ =	strace $0x90000046  }
0xb2: {  	s29 =	simm.s32 $0x9;
	_ =	strace $0x80000048  }
0xb3: {  	_ =	swait.ge [sflag:s29], $0x1  }
0xb4: {  	[sflag:s29] =	ssyncadd.s32 $0xFFFFFFFF  }
0xb5: {  	_ =	strace $0x90000048  }
0xb6: {  	_ =	sfence  }
0xb7: {  	s30 =	sld [smem:$0x0];
	_ =	sdelay $0x2  }
0xb8: {  	s31 =	sshll.u32 s1, $0xD;
	s1 =	sshrl.u32 s1, $0x2  }
0xb9: {  	s3 =	sand.u32 $0x4000, s31;
	s1 =	sadd.s32 s1, s30  }
0xba: {  	s0 =	sor.u32 s3, s0;
	s1 =	sshll.u32 s1, $0x11  }
0xbb: {  	s0 =	sor.u32 s1, s0  }
0xbc: {  	s0 =	sadd.s32 $0x8F2B, s0  }
0xbd: {  	[sflag:s0] =	ssyncadd.remote.s32 $0x1  }
0xbe: {  	_ =	sfence.sel $0xFFFF  }
0xbf: {  	[dreg:$0x0] =	wrdreg $0xFFFFFFFF;
	(pc) =	sbr.abs _section_cstart, $3  }
0xc0: {  	[dreg:$0x1] =	wrdreg $0xFFFFFFFF  }
0xc1: {  	_ =	task.clear_ibuf [dreg:s7], $0x2FFFF;
	_ =	strace $0x9FFFFFFF  }
0xc2: {  	(tm) =	ssettm $0x7FFFFFFF  }
0xc3: {  	_ =	shalt  }
tec
execute0_lowered:
.L_overlay_start_1:
0x0: {  	(tag) =	ssettag $0x1  }
0x1: {  	s5 =	rddreg [dreg:$0x0]  }
0x2: {  	s6 =	rddreg [dreg:$0x1]  }
0x3: {  	s0 =	rddreg [dreg:$0x2]  }
0x4: {  	s2 =	simm.s32 $0x0;
	s3 =	srdreg.scid;
	s1 =	stileid.u32  }
0x5: {  	s11 =	simm.s32 $0x1;
	s12 =	simm.s32 $0x8600;
	s13 =	simm.s32 $0x2000  }
0x6: {  	s14 =	simm.s32 $0x4000;
	s15 =	simm.s32 $0x6000;
	s16 =	simm.s32 $0x0  }
0x7: {  	[smem:$0x7FF] =	sst s2;
	s3 =	sand.u32 $0x1, s3;
	s4 =	sshll.u32 s1, $0xB  }
0x8: {  	_ =	strace $0x80000047;
	s7 =	sshll.u32 s3, $0xA;
	s8 =	ssub.s32 $0x2, s3  }
0x9: {  	s3 =	sadd.s32 $0x200, s5;
	s7 =	sor.u32 s7, s4;
	s9 =	sshrl.u32 s8, $0x1  }
0xa: {  	s4 =	sadd.s32 $0x400, s5;
	s10 =	sadd.s32 s7, s5;
	s9 =	ssub.s32 s8, s9  }
0xb: {  	s6 =	sadd.s32 s6, s7;
	s5 =	sadd.s32 $0x8600, s10;
	s7 =	sadd.s32 $0x600, s10  }
0xc: {  	s8 =	sadd.s32 $0x10600, s10;
	s9 =	smax.u32 s9, $0x1;
	s10 =	simm.s32 $0x8000  }
.LBB2_1:
0xd: {  	[tilespmem:s10], [sflag:$0x1] =	stream.linear.gather [hbm4b:s3+s2], $0x600, $0x38;
	[tilespmem:$0x8C00] =	vst v63  }
0xe: {  	_ =	swait.ge [sflag:s11], $0x600  }
0xf: {  	[sflag:s11] =	ssyncset.done $0x0  }
0x10: {  	[sflag:s11] =	ssyncadd.s32 $0xFFFFFA00  }
0x11: {  	[tilespmem:s12], [sflag:$0x1] =	stream.linear.gather [hbm4b:s4+s2], $0x600, $0x38;
	[tilespmem:$0x8C00] =	vst v63  }
0x12: {  	_ =	swait.ge [sflag:s11], $0x600  }
0x13: {  	[sflag:s11] =	ssyncset.done $0x0  }
0x14: {  	[sflag:s11] =	ssyncadd.s32 $0xFFFFFA00  }
0x15: {  	[tilespmem:s2], [sflag:$0x1] =	stream.linear.gather [hbm4b:s5+s2], $0x2000, $0x38;
	[tilespmem:$0x8C00] =	vst v63  }
0x16: {  	_ =	swait.ge [sflag:s11], $0x2000  }
0x17: {  	[sflag:s11] =	ssyncset.done $0x0  }
0x18: {  	[sflag:s11] =	ssyncadd.s32 $0xFFFFE000  }
0x19: {  	[tilespmem:s13], [sflag:$0x1] =	stream.linear.gather [hbm4b:s6+s2], $0x2000, $0x38;
	[tilespmem:$0x8C00] =	vst v63  }
0x1a: {  	_ =	swait.ge [sflag:s11], $0x2000  }
0x1b: {  	[sflag:s11] =	ssyncset.done $0x0  }
0x1c: {  	[sflag:s11] =	ssyncadd.s32 $0xFFFFE000  }
0x1d: {  	[tilespmem:s14], [sflag:$0x1] =	stream.linear.gather [hbm4b:s7+s2], $0x2000, $0x38;
	[tilespmem:$0x8C00] =	vst v63  }
0x1e: {  	_ =	swait.ge [sflag:s11], $0x2000  }
0x1f: {  	[sflag:s11] =	ssyncset.done $0x0  }
0x20: {  	s17 =	simm.s32 $0x0;
	[sflag:s11] =	ssyncadd.s32 $0xFFFFE000  }
0x21: {  	v0 =	vld [tilespmem:s17+$0x2000]  }
0x22: {  	v2 =	vld [tilespmem:s17+$0x0];
	_ =	sdelay $0x5  }
0x23: {  	v5 =	vld [tilespmem:s17+$0x4000]  }
0x24: {  	v1 =	vld.idx.msk [tilespmem:v0+s10+$0x0], $0xffff  }
0x25: {  	v3 =	vld.idx.msk [tilespmem:v2+s10+$0x0], $0xffff  }
0x26: {  	v2 =	vld.idx.msk [tilespmem:v2+s12+$0x0], $0xffff  }
0x27: {  	v4 =	vld.idx.msk [tilespmem:v0+s12+$0x0], $0xffff  }
0x28: {  	s18 =	simm.s32 $0x10  }
0x29: {  	s19 =	simm.s32 $0x80;
	v0 =	vld [tilespmem:s18+$0x2000]  }
.LBB2_2:
0x2a: {  	p0 =	sne.s32 s19, $0x7FC0;
	v6 =	vld [tilespmem:s18+$0x0];
	v1 =	vadd.f32 v1, v3;
	_ =	sdelay $0x1  }
0x2b: {  	v2 =	vadd.f32 v4, v2;
	v1 =	vmul.f32 v5, v1;
	_ =	sdelay $0x1  }
0x2c: {  	v1 =	vadd.f32 v1, v2;
	_ =	sdelay $0x1  }
0x2d: {  	[tilespmem:s17+$0x6000] =	vst v1;
	s17 =	smov.u32 s18  }
0x2e: {  	v1 =	vld.idx.msk [tilespmem:v0+s10+$0x0], $0xffff  }
0x2f: {  	v3 =	vld.idx.msk [tilespmem:v6+s10+$0x0], $0xffff  }
.Ltmp0:
0x30: {  	v2 =	vld.idx.msk [tilespmem:v6+s12+$0x0], $0xffff;
	(pc) =	sbr.rel @p0 .LBB2_2-.Ltmp0, $4  }
0x31: {  	v4 =	vld.idx.msk [tilespmem:v0+s12+$0x0], $0xffff  }
0x32: {  	v5 =	vld [tilespmem:s17+$0x4000]  }
0x33: {  	s18 =	sshra.s32 s19, $0x2  }
0x34: {  	s19 =	sadd.s32 $0x40, s19;
	v0 =	vld [tilespmem:s18+$0x2000]  }
0x35: {  	_ = 	snop  }
0x36: {  	v1 =	vadd.f32 v1, v3  }
0x37: {  	v6 =	vld [tilespmem:s18+$0x0]  }
0x38: {  	v2 =	vadd.f32 v4, v2;
	v1 =	vmul.f32 v5, v1;
	_ =	sdelay $0x1  }
0x39: {  	v1 =	vadd.f32 v1, v2;
	_ =	sdelay $0x1  }
0x3a: {  	[tilespmem:s17+$0x6000] =	vst v1  }
0x3b: {  	v1 =	vld.idx.msk [tilespmem:v0+s10+$0x0], $0xffff  }
0x3c: {  	v62 =	vld.idx.msk [tilespmem:v0+s12+$0x0], $0xffff  }
0x3d: {  	v60 =	vld.idx.msk [tilespmem:v6+s10+$0x0], $0xffff  }
0x3e: {  	v63 =	vld [tilespmem:s18+$0x4000]  }
0x3f: {  	v61 =	vld.idx.msk [tilespmem:v6+s12+$0x0], $0xffff;
	_ =	sdelay $0x2  }
0x40: {  	v1 =	vadd.f32 v1, v60;
	_ =	sdelay $0x1  }
0x41: {  	v0 =	vadd.f32 v62, v61;
	v1 =	vmul.f32 v63, v1;
	_ =	sdelay $0x1  }
0x42: {  	s16 =	sadd.s32 $0x1, s16;
	v0 =	vadd.f32 v1, v0  }
0x43: {  	p0 =	sne.s32 s16, s9  }
.Ltmp1:
0x44: {  	[tilespmem:s18+$0x6000] =	vst v0;
	(pc) =	sbr.rel @p0 .LBB2_1-.Ltmp1, $4  }
0x45: {  	[hbm4b:s8+s2] =	stream.linear.scatter [tilespmem:s15], [sflag:$0x1], $0x2000, $0x38;
	[tilespmem:$0x8C00] =	vst v63  }
0x46: {  	_ =	swait.ge [sflag:s11], $0x2000  }
0x47: {  	[sflag:s11] =	ssyncset.done $0x0  }
0x48: {  	[sflag:s11] =	ssyncadd.s32 $0xFFFFE000  }
0x49: {  	_ =	sfence.sel $0x180000  }
0x4a: {  	[bflag:$0x0] =	sbarrier.arrive $0xFFFF  }
0x4b: {  	p0 =	sne.s32 s1, $0x0;
	_ =	strace $0x90000047  }
0x4c: {  	s0 =	sadd.s32 @!p0 $0x100000, s0;
	[bflag:$0x2] =	sbarrier.arrive $0xFFFF  }
0x4d: {  	[sflag:s0] =	ssyncadd.tile.s32 @!p0 $0x1;
	_ =	shalt  }
.Lfunc_end2:
_tile_overlayer_lowered:
.L_overlay_start_2:
0x4e: {  	(tag) =	ssettag $0x2  }
0x4f: {  	s0 =	rddreg [dreg:$0x0];
	s2 =	stileid.u32  }
0x50: {  	s1 =	rddreg [dreg:$0x1];
	p0 =	sne.s32 s2, $0x0  }
0x51: {  	s3 =	rddreg [dreg:$0x2];
	[bflag:$0x3] =	sbarrier.arrive $0xFFFF;
	s2 =	simm.s32 @!p0 $0x1C01  }
0x52: {  	[timem:s3], [sflag:s2] =	dma.local @!p0 [hbm:s0], s1  }
0x53: {  	s0 =	simm.s32 @!p0 $0x1  }
0x54: {  	_ =	swait.ge @!p0 [sflag:s0], s1  }
0x55: {  	s1 =	ssub.s32 @!p0 $0x0, s1;
	[sflag:s0] =	ssyncset.done @!p0 $0x0  }
0x56: {  	[sflag:s0] =	ssyncadd.s32 @!p0 s1  }
0x57: {  	[bflag:$0x3] =	sbarrier.arrive $0xFFFF  }
0x58: {  	_ =	shalt  }

</sc_bundles>
